<compile_context>
chip_gen: v7x
topology: tpu7x:2x2x1
jax: 0.10.2.dev20260603
libtpu: 0.0.44.dev20260713+nightly
codegen_flags: <defaults>
</compile_context>

<pallas_src>
import functools
import math

import numpy as np
import jax
import jax.numpy as jnp
from jax import lax
from jax.experimental import pallas as pl
from jax.experimental.pallas import tpu as pltpu
from jax.experimental.pallas import tpu_sc as plsc

_MAX_WIDTH = 64
_STRIPES_NUM = 2



def _rotl(x, r):
    return ((x << np.uint32(r)) | (x >> np.uint32(32 - r))).astype(np.uint32)


def _threefry2x32_pair(k0, k1, x0, x1):
    x0 = np.asarray(x0, np.uint32).copy()
    x1 = np.asarray(x1, np.uint32).copy()
    ks = [np.uint32(k0), np.uint32(k1),
          np.uint32(np.uint32(k0) ^ np.uint32(k1) ^ np.uint32(0x1BD11BDA))]
    rotations = [(13, 15, 26, 6), (17, 29, 16, 24)]
    with np.errstate(over="ignore"):
        x0 = (x0 + ks[0]).astype(np.uint32)
        x1 = (x1 + ks[1]).astype(np.uint32)
        for i in range(5):
            for r in rotations[i % 2]:
                x0 = (x0 + x1).astype(np.uint32)
                x1 = _rotl(x1, r)
                x1 = x1 ^ x0
            x0 = (x0 + ks[(i + 1) % 3]).astype(np.uint32)
            x1 = (x1 + ks[(i + 2) % 3] + np.uint32(i + 1)).astype(np.uint32)
    return x0, x1


def _iota_2x32(n):
    i = np.arange(n, dtype=np.uint64)
    return ((i >> np.uint64(32)).astype(np.uint32),
            (i & np.uint64(0xFFFFFFFF)).astype(np.uint32))


def _np_split(key):
    c1, c2 = _iota_2x32(2)
    b1, b2 = _threefry2x32_pair(key[0], key[1], c1, c2)
    return (b1[0], b2[0]), (b1[1], b2[1])


def _np_random_bits(key, shape):
    n = int(np.prod(shape)) if shape else 1
    c1, c2 = _iota_2x32(n)
    b1, b2 = _threefry2x32_pair(key[0], key[1], c1, c2)
    out = b1 ^ b2
    return out.reshape(shape) if shape else out[0]


def _np_randint(key, shape, minval, maxval):
    k1, k2 = _np_split(key)
    hi = _np_random_bits(k1, shape).astype(np.uint32)
    lo = _np_random_bits(k2, shape).astype(np.uint32)
    span = np.uint32(maxval - minval) if maxval > minval else np.uint32(1)
    with np.errstate(over="ignore"):
        m = np.uint32((np.uint32(65536) % span) * (np.uint32(65536) % span)) % span
        r = (np.uint32(hi % span * m) + lo % span).astype(np.uint32) % span
    return (np.int32(minval) + r.astype(np.int32)).astype(np.int32)


@functools.lru_cache(maxsize=None)
def _stripes(total_width: int):
    mw = min(_MAX_WIDTH, total_width)
    key = (np.uint32(0), np.uint32(42))
    key, k1 = _np_split(key)
    widths = _np_randint(k1, (_STRIPES_NUM,), 0, mw)
    starts = []
    for i in range(_STRIPES_NUM):
        key, k = _np_split(key)
        starts.append(int(_np_randint(k, (), 0, total_width - int(widths[i]))))
    return tuple(int(w) for w in widths), tuple(starts)


@functools.lru_cache(maxsize=None)
def _segments(total_width: int):
    widths, starts = _stripes(total_width)
    ivs = sorted((s, s + w) for s, w in zip(starts, widths) if w > 0)
    merged = []
    for a, b in ivs:
        if merged and a <= merged[-1][1]:
            merged[-1][1] = max(merged[-1][1], b)
        else:
            merged.append([a, b])
    segs, p = [], 0
    for a, b in merged:
        if p < a:
            segs.append((p, a - p, False))
        segs.append((a, b - a, True))
        p = b
    if p < total_width:
        segs.append((p, total_width - p, False))
    return tuple(segs)



@functools.lru_cache(maxsize=None)
def _build_sc_kernel(B: int, T: int, F: int):
    segs = _segments(T)
    masked = [(s, n) for s, n, m in segs if m]
    kept = [(s, n) for s, n, m in segs if not m]
    wmax = max([n for _, n in masked], default=1)

    info = plsc.get_sparse_core_info()
    NC, NS = info.num_cores, info.num_subcores
    NW = NC * NS
    jobs = math.ceil(B / NW)
    mesh = plsc.VectorSubcoreMesh(core_axis_name="c", subcore_axis_name="s")

    CH = 32768
    SLOTS = 3
    chunks = []
    for s, n in kept:
        off, rem = s * F, n * F
        while rem > 0:
            ln = min(CH, rem)
            chunks.append((off, ln))
            off += ln
            rem -= ln
    nch = len(chunks)

    @functools.partial(
        pl.kernel,
        mesh=mesh,
        out_type=jax.ShapeDtypeStruct((B * T * F,), jnp.float32),
        scratch_types=(
            [pltpu.VMEM((CH,), jnp.float32) for _ in range(SLOTS)] + [
                pltpu.VMEM((max(wmax * F, 16),), jnp.float32),
                pltpu.SemaphoreType.DMA,
                pltpu.SemaphoreType.DMA,
                pltpu.SemaphoreType.DMA,
            ]
        ),
    )
    def k(x_hbm, out_hbm, *rest):
        bufs = rest[:SLOTS]
        zbuf, isem, osem, zsem = rest[SLOTS:]
        wid = lax.axis_index("s") * NC + lax.axis_index("c")
        if masked:
            zv = jnp.zeros((16,), jnp.float32)

            def _zfill(c, carry):
                zbuf[pl.ds(c * 16, 16)] = zv
                return carry

            lax.fori_loop(0, max(wmax * F, 16) // 16, _zfill, 0)
        for j in range(jobs):
            b = wid + j * NW
            base = b * (T * F)

            def _issue(base):
                zh = [pltpu.async_copy(
                          zbuf.at[pl.ds(0, n * F)],
                          out_hbm.at[pl.ds(base + s * F, n * F)], zsem)
                      for s, n in masked]
                in_h = [None] * nch
                out_h = [None] * nch

                def start_in(i):
                    off, ln = chunks[i]
                    return pltpu.async_copy(
                        x_hbm.at[pl.ds(base + off, ln)],
                        bufs[i % SLOTS].at[pl.ds(0, ln)], isem)

                def start_out(i):
                    off, ln = chunks[i]
                    return pltpu.async_copy(
                        bufs[i % SLOTS].at[pl.ds(0, ln)],
                        out_hbm.at[pl.ds(base + off, ln)], osem)

                for i in range(nch):
                    if i >= SLOTS:
                        out_h[i - SLOTS].wait()
                    in_h[i] = start_in(i)
                    jj = i - (SLOTS - 1)
                    if jj >= 0:
                        in_h[jj].wait()
                        out_h[jj] = start_out(jj)
                for jj in range(max(0, nch - (SLOTS - 1)), nch):
                    in_h[jj].wait()
                    out_h[jj] = start_out(jj)
                for jj in range(max(0, nch - SLOTS), nch):
                    out_h[jj].wait()
                for h in zh:
                    h.wait()

            if B % NW == 0:
                _issue(base)
            else:
                @pl.when(b < B)
                def _():
                    _issue(base)

    return k


def kernel(x):
    B, T, F = x.shape
    return _build_sc_kernel(B, T, F)(x.reshape(-1)).reshape(B, T, F)

# --- scband reference (transcript-rebuilt; emitter-appended) ---
"""Pipeline reference for scband-drop-stripes-13872744366514 (READ-ONLY COPY).

The authoritative reference and input builder live on the scoring server;
editing this copy changes nothing except your own understanding.
"""

import jax, jax.numpy as jnp
import numpy as np

DIM = 1
MAX_WIDTH = 64
STRIPES_NUM = 2
FILL_VALUE = 0.0


def setup_inputs(seed: int = 0) -> dict:
    key = jax.random.key(seed)
    x = jax.random.normal(key, (32, 1024, 128), dtype=jnp.float32)
    return {"x": x}


def _sample_stripes(total_width: int):
    # Mirrors torch.randint draws with a fixed generator seed, but using jax PRNG.
    mw = min(MAX_WIDTH, total_width)
    key = jax.random.key(42)
    key, k1 = jax.random.split(key)
    widths = jax.random.randint(k1, (STRIPES_NUM,), 0, mw)
    starts = []
    for i in range(STRIPES_NUM):
        key, k = jax.random.split(key)
        starts.append(jax.random.randint(k, (), 0, total_width - widths[i]))
    return widths, jnp.stack(starts)


def reference(x: jnp.ndarray) -> jnp.ndarray:
    total_width = x.shape[DIM]
    if total_width == 0:
        return x
    widths, starts = _sample_stripes(total_width)
    positions = jnp.arange(total_width)
    mask = jnp.zeros((total_width,), dtype=bool)
    for i in range(STRIPES_NUM):
        mask = mask | ((positions >= starts[i]) & (positions < starts[i] + widths[i]))
    bshape = tuple(total_width if d == DIM else 1 for d in range(x.ndim))
    out = jnp.where(mask.reshape(bshape), jnp.asarray(FILL_VALUE, dtype=x.dtype), x)
    return out

if __name__ == "__main__":
    import jax
    _d = setup_inputs()
    print(jax.jit(kernel)(*tuple(_d.values())))

</pallas_src>

<mosaic_0001>
#map = affine_map<(d0, d1) -> (0)>
module attributes {stable_mosaic.version = 14 : i64} {
  func.func @k(%arg0: i32, %arg1: i32, %arg2: memref<4194304xf32, #tpu.memory_space<hbm>>, %arg3: memref<4194304xf32, #tpu.memory_space<hbm>>, %arg4: memref<32768xf32, #tpu.memory_space<vmem>>, %arg5: memref<32768xf32, #tpu.memory_space<vmem>>, %arg6: memref<32768xf32, #tpu.memory_space<vmem>>, %arg7: memref<1664xf32, #tpu.memory_space<vmem>>, %arg8: memref<!tpu.dma_semaphore, #tpu.memory_space<semaphore_mem>>, %arg9: memref<!tpu.dma_semaphore, #tpu.memory_space<semaphore_mem>>, %arg10: memref<!tpu.dma_semaphore, #tpu.memory_space<semaphore_mem>>) attributes {dimension_semantics = [#tpu.dimension_semantics<core_parallel>, #tpu.dimension_semantics<subcore_parallel>], iteration_bounds = array<i64: 2, 16>, scalar_prefetch = 0 : i64, scratch_operands = 7 : i64, tpu.core_type = #tpu.core_type<sc_vector_subcore>, window_params = [{transform_indices = #map}, {transform_indices = #map}]} {
    %mul3A = arith.constant 2 : i32
    %mul3A_0 = arith.muli %arg1, %mul3A : i32
    %add3A = arith.addi %mul3A_0, %arg0 : i32
    %broadcast_in_dim3A = arith.constant 0.000000e+00 : f32
    %broadcast_in_dim3A_1 = vector.broadcast %broadcast_in_dim3A : f32 to vector<16xf32>
    %scan3A = arith.constant 0 : i32
    %scan3A_2 = arith.constant 0 : i32
    %scan3A_3 = arith.constant 104 : i32
    %scan3A_4 = arith.addi %scan3A_2, %scan3A_3 : i32
    %scan3A_5 = arith.constant 1 : i32
    scf.for %scan3A_205 = %scan3A_2 to %scan3A_4 step %scan3A_5  : i32 {
      %mul3A_206 = arith.constant 16 : i32
      %mul3A_207 = arith.muli %scan3A_205, %mul3A_206 : i32
      %swap3A = arith.index_cast %mul3A_207 : i32 to index
      %swap3A_208 = tpu.vector_load %arg7[%swap3A] {strides = array<i32>} : memref<1664xf32, #tpu.memory_space<vmem>>, vector<16xf32>,
      %swap3A_209 = vector.shape_cast %swap3A_208 : vector<16xf32> to vector<16xf32>
      %swap3A_210 = vector.shape_cast %broadcast_in_dim3A_1 : vector<16xf32> to vector<16xf32>
      tpu.vector_store %arg7[%swap3A], %swap3A_210 {strides = array<i32>} : memref<1664xf32, #tpu.memory_space<vmem>>, vector<16xf32>,
    }
    %scan3A_6 = arith.constant 104 : i32
    %add3A_7 = arith.constant 0 : i32
    %add3A_8 = arith.addi %add3A, %add3A_7 : i32
    %mul3A_9 = arith.constant 131072 : i32
    %mul3A_10 = arith.muli %add3A_8, %mul3A_9 : i32
    %add3A_11 = arith.constant 79616 : i32
    %add3A_12 = arith.addi %mul3A_10, %add3A_11 : i32
    %dma_start3A = arith.constant 0 : i32
    %dma_start3A_13 = tpu.memref_slice %arg7[%dma_start3A] : memref<1664xf32, #tpu.memory_space<vmem>> -> memref<1024xf32, #tpu.memory_space<vmem>>
    %dma_start3A_14 = tpu.memref_slice %arg3[%add3A_12] : memref<4194304xf32, #tpu.memory_space<hbm>> -> memref<1024xf32, #tpu.memory_space<hbm>>
    %dma_start3A_15 = tpu.memref_slice %arg3[%add3A_12] : memref<4194304xf32, #tpu.memory_space<hbm>> -> memref<1024xf32, #tpu.memory_space<hbm>>
    %dma_start3A_16 = arith.constant 0 : i32
    %dma_start3A_17 = tpu.memref_slice %arg7[%dma_start3A_16] : memref<1664xf32, #tpu.memory_space<vmem>> -> memref<1024xf32, #tpu.memory_space<vmem>>
    tpu.enqueue_dma source(%dma_start3A_17 : memref<1024xf32, #tpu.memory_space<vmem>>) target(%dma_start3A_15 : memref<1024xf32, #tpu.memory_space<hbm>>) target_semaphore(%arg10 : memref<!tpu.dma_semaphore, #tpu.memory_space<semaphore_mem>>)
    %add3A_18 = arith.constant 120064 : i32
    %add3A_19 = arith.addi %mul3A_10, %add3A_18 : i32
    %dma_start3A_20 = arith.constant 0 : i32
    %dma_start3A_21 = tpu.memref_slice %arg7[%dma_start3A_20] : memref<1664xf32, #tpu.memory_space<vmem>> -> memref<1664xf32, #tpu.memory_space<vmem>>
    %dma_start3A_22 = tpu.memref_slice %arg3[%add3A_19] : memref<4194304xf32, #tpu.memory_space<hbm>> -> memref<1664xf32, #tpu.memory_space<hbm>>
    %dma_start3A_23 = tpu.memref_slice %arg3[%add3A_19] : memref<4194304xf32, #tpu.memory_space<hbm>> -> memref<1664xf32, #tpu.memory_space<hbm>>
    %dma_start3A_24 = arith.constant 0 : i32
    %dma_start3A_25 = tpu.memref_slice %arg7[%dma_start3A_24] : memref<1664xf32, #tpu.memory_space<vmem>> -> memref<1664xf32, #tpu.memory_space<vmem>>
    tpu.enqueue_dma source(%dma_start3A_25 : memref<1664xf32, #tpu.memory_space<vmem>>) target(%dma_start3A_23 : memref<1664xf32, #tpu.memory_space<hbm>>) target_semaphore(%arg10 : memref<!tpu.dma_semaphore, #tpu.memory_space<semaphore_mem>>)
    %add3A_26 = arith.constant 0 : i32
    %add3A_27 = arith.addi %mul3A_10, %add3A_26 : i32
    %dma_start3A_28 = arith.constant 0 : i32
    %dma_start3A_29 = tpu.memref_slice %arg4[%dma_start3A_28] : memref<32768xf32, #tpu.memory_space<vmem>> -> memref<32768xf32, #tpu.memory_space<vmem>>
    %dma_start3A_30 = tpu.memref_slice %arg2[%add3A_27] : memref<4194304xf32, #tpu.memory_space<hbm>> -> memref<32768xf32, #tpu.memory_space<hbm>>
    %dma_start3A_31 = arith.constant 0 : i32
    %dma_start3A_32 = tpu.memref_slice %arg4[%dma_start3A_31] : memref<32768xf32, #tpu.memory_space<vmem>> -> memref<32768xf32, #tpu.memory_space<vmem>>
    %dma_start3A_33 = tpu.memref_slice %arg2[%add3A_27] : memref<4194304xf32, #tpu.memory_space<hbm>> -> memref<32768xf32, #tpu.memory_space<hbm>>
    tpu.enqueue_dma source(%dma_start3A_33 : memref<32768xf32, #tpu.memory_space<hbm>>) target(%dma_start3A_32 : memref<32768xf32, #tpu.memory_space<vmem>>) target_semaphore(%arg8 : memref<!tpu.dma_semaphore, #tpu.memory_space<semaphore_mem>>)
    %add3A_34 = arith.constant 32768 : i32
    %add3A_35 = arith.addi %mul3A_10, %add3A_34 : i32
    %dma_start3A_36 = arith.constant 0 : i32
    %dma_start3A_37 = tpu.memref_slice %arg5[%dma_start3A_36] : memref<32768xf32, #tpu.memory_space<vmem>> -> memref<32768xf32, #tpu.memory_space<vmem>>
    %dma_start3A_38 = tpu.memref_slice %arg2[%add3A_35] : memref<4194304xf32, #tpu.memory_space<hbm>> -> memref<32768xf32, #tpu.memory_space<hbm>>
    %dma_start3A_39 = arith.constant 0 : i32
    %dma_start3A_40 = tpu.memref_slice %arg5[%dma_start3A_39] : memref<32768xf32, #tpu.memory_space<vmem>> -> memref<32768xf32, #tpu.memory_space<vmem>>
    %dma_start3A_41 = tpu.memref_slice %arg2[%add3A_35] : memref<4194304xf32, #tpu.memory_space<hbm>> -> memref<32768xf32, #tpu.memory_space<hbm>>
    tpu.enqueue_dma source(%dma_start3A_41 : memref<32768xf32, #tpu.memory_space<hbm>>) target(%dma_start3A_40 : memref<32768xf32, #tpu.memory_space<vmem>>) target_semaphore(%arg8 : memref<!tpu.dma_semaphore, #tpu.memory_space<semaphore_mem>>)
    %add3A_42 = arith.constant 65536 : i32
    %add3A_43 = arith.addi %mul3A_10, %add3A_42 : i32
    %dma_start3A_44 = arith.constant 0 : i32
    %dma_start3A_45 = tpu.memref_slice %arg6[%dma_start3A_44] : memref<32768xf32, #tpu.memory_space<vmem>> -> memref<14080xf32, #tpu.memory_space<vmem>>
    %dma_start3A_46 = tpu.memref_slice %arg2[%add3A_43] : memref<4194304xf32, #tpu.memory_space<hbm>> -> memref<14080xf32, #tpu.memory_space<hbm>>
    %dma_start3A_47 = arith.constant 0 : i32
    %dma_start3A_48 = tpu.memref_slice %arg6[%dma_start3A_47] : memref<32768xf32, #tpu.memory_space<vmem>> -> memref<14080xf32, #tpu.memory_space<vmem>>
    %dma_start3A_49 = tpu.memref_slice %arg2[%add3A_43] : memref<4194304xf32, #tpu.memory_space<hbm>> -> memref<14080xf32, #tpu.memory_space<hbm>>
    tpu.enqueue_dma source(%dma_start3A_49 : memref<14080xf32, #tpu.memory_space<hbm>>) target(%dma_start3A_48 : memref<14080xf32, #tpu.memory_space<vmem>>) target_semaphore(%arg8 : memref<!tpu.dma_semaphore, #tpu.memory_space<semaphore_mem>>)
    %dma_wait3A = arith.constant 0 : i32
    %dma_wait3A_50 = tpu.memref_slice %arg4[%dma_wait3A] : memref<32768xf32, #tpu.memory_space<vmem>> -> memref<32768xf32, #tpu.memory_space<vmem>>
    %dma_wait3A_51 = tpu.memref_slice %arg2[%add3A_27] : memref<4194304xf32, #tpu.memory_space<hbm>> -> memref<32768xf32, #tpu.memory_space<hbm>>
    %dma_wait3A_52 = arith.constant 0 : i32
    %dma_wait3A_53 = tpu.memref_slice %arg4[%dma_wait3A_52] : memref<32768xf32, #tpu.memory_space<vmem>> -> memref<32768xf32, #tpu.memory_space<vmem>>
    %dma_wait3A_54 = tpu.memref_slice %arg2[%add3A_27] : memref<4194304xf32, #tpu.memory_space<hbm>> -> memref<32768xf32, #tpu.memory_space<hbm>>
    tpu.wait_dma2 semaphore(%arg8 : memref<!tpu.dma_semaphore, #tpu.memory_space<semaphore_mem>>) src(%dma_wait3A_54 : memref<32768xf32, #tpu.memory_space<hbm>>) dst(%dma_wait3A_53 : memref<32768xf32, #tpu.memory_space<vmem>>)
    %add3A_55 = arith.constant 0 : i32
    %add3A_56 = arith.addi %mul3A_10, %add3A_55 : i32
    %dma_start3A_57 = arith.constant 0 : i32
    %dma_start3A_58 = tpu.memref_slice %arg4[%dma_start3A_57] : memref<32768xf32, #tpu.memory_space<vmem>> -> memref<32768xf32, #tpu.memory_space<vmem>>
    %dma_start3A_59 = tpu.memref_slice %arg3[%add3A_56] : memref<4194304xf32, #tpu.memory_space<hbm>> -> memref<32768xf32, #tpu.memory_space<hbm>>
    %dma_start3A_60 = tpu.memref_slice %arg3[%add3A_56] : memref<4194304xf32, #tpu.memory_space<hbm>> -> memref<32768xf32, #tpu.memory_space<hbm>>
    %dma_start3A_61 = arith.constant 0 : i32
    %dma_start3A_62 = tpu.memref_slice %arg4[%dma_start3A_61] : memref<32768xf32, #tpu.memory_space<vmem>> -> memref<32768xf32, #tpu.memory_space<vmem>>
    tpu.enqueue_dma source(%dma_start3A_62 : memref<32768xf32, #tpu.memory_space<vmem>>) target(%dma_start3A_60 : memref<32768xf32, #tpu.memory_space<hbm>>) target_semaphore(%arg9 : memref<!tpu.dma_semaphore, #tpu.memory_space<semaphore_mem>>)
    %dma_wait3A_63 = arith.constant 0 : i32
    %dma_wait3A_64 = tpu.memref_slice %arg4[%dma_wait3A_63] : memref<32768xf32, #tpu.memory_space<vmem>> -> memref<32768xf32, #tpu.memory_space<vmem>>
    %dma_wait3A_65 = tpu.memref_slice %arg3[%add3A_56] : memref<4194304xf32, #tpu.memory_space<hbm>> -> memref<32768xf32, #tpu.memory_space<hbm>>
    %dma_wait3A_66 = tpu.memref_slice %arg3[%add3A_56] : memref<4194304xf32, #tpu.memory_space<hbm>> -> memref<32768xf32, #tpu.memory_space<hbm>>
    %dma_wait3A_67 = arith.constant 0 : i32
    %dma_wait3A_68 = tpu.memref_slice %arg4[%dma_wait3A_67] : memref<32768xf32, #tpu.memory_space<vmem>> -> memref<32768xf32, #tpu.memory_space<vmem>>
    tpu.wait_dma2 semaphore(%arg9 : memref<!tpu.dma_semaphore, #tpu.memory_space<semaphore_mem>>) src(%dma_wait3A_68 : memref<32768xf32, #tpu.memory_space<vmem>>) dst(%dma_wait3A_66 : memref<32768xf32, #tpu.memory_space<hbm>>)
    %add3A_69 = arith.constant 80640 : i32
    %add3A_70 = arith.addi %mul3A_10, %add3A_69 : i32
    %dma_start3A_71 = arith.constant 0 : i32
    %dma_start3A_72 = tpu.memref_slice %arg4[%dma_start3A_71] : memref<32768xf32, #tpu.memory_space<vmem>> -> memref<32768xf32, #tpu.memory_space<vmem>>
    %dma_start3A_73 = tpu.memref_slice %arg2[%add3A_70] : memref<4194304xf32, #tpu.memory_space<hbm>> -> memref<32768xf32, #tpu.memory_space<hbm>>
    %dma_start3A_74 = arith.constant 0 : i32
    %dma_start3A_75 = tpu.memref_slice %arg4[%dma_start3A_74] : memref<32768xf32, #tpu.memory_space<vmem>> -> memref<32768xf32, #tpu.memory_space<vmem>>
    %dma_start3A_76 = tpu.memref_slice %arg2[%add3A_70] : memref<4194304xf32, #tpu.memory_space<hbm>> -> memref<32768xf32, #tpu.memory_space<hbm>>
    tpu.enqueue_dma source(%dma_start3A_76 : memref<32768xf32, #tpu.memory_space<hbm>>) target(%dma_start3A_75 : memref<32768xf32, #tpu.memory_space<vmem>>) target_semaphore(%arg8 : memref<!tpu.dma_semaphore, #tpu.memory_space<semaphore_mem>>)
    %dma_wait3A_77 = arith.constant 0 : i32
    %dma_wait3A_78 = tpu.memref_slice %arg5[%dma_wait3A_77] : memref<32768xf32, #tpu.memory_space<vmem>> -> memref<32768xf32, #tpu.memory_space<vmem>>
    %dma_wait3A_79 = tpu.memref_slice %arg2[%add3A_35] : memref<4194304xf32, #tpu.memory_space<hbm>> -> memref<32768xf32, #tpu.memory_space<hbm>>
    %dma_wait3A_80 = arith.constant 0 : i32
    %dma_wait3A_81 = tpu.memref_slice %arg5[%dma_wait3A_80] : memref<32768xf32, #tpu.memory_space<vmem>> -> memref<32768xf32, #tpu.memory_space<vmem>>
    %dma_wait3A_82 = tpu.memref_slice %arg2[%add3A_35] : memref<4194304xf32, #tpu.memory_space<hbm>> -> memref<32768xf32, #tpu.memory_space<hbm>>
    tpu.wait_dma2 semaphore(%arg8 : memref<!tpu.dma_semaphore, #tpu.memory_space<semaphore_mem>>) src(%dma_wait3A_82 : memref<32768xf32, #tpu.memory_space<hbm>>) dst(%dma_wait3A_81 : memref<32768xf32, #tpu.memory_space<vmem>>)
    %add3A_83 = arith.constant 32768 : i32
    %add3A_84 = arith.addi %mul3A_10, %add3A_83 : i32
    %dma_start3A_85 = arith.constant 0 : i32
    %dma_start3A_86 = tpu.memref_slice %arg5[%dma_start3A_85] : memref<32768xf32, #tpu.memory_space<vmem>> -> memref<32768xf32, #tpu.memory_space<vmem>>
    %dma_start3A_87 = tpu.memref_slice %arg3[%add3A_84] : memref<4194304xf32, #tpu.memory_space<hbm>> -> memref<32768xf32, #tpu.memory_space<hbm>>
    %dma_start3A_88 = tpu.memref_slice %arg3[%add3A_84] : memref<4194304xf32, #tpu.memory_space<hbm>> -> memref<32768xf32, #tpu.memory_space<hbm>>
    %dma_start3A_89 = arith.constant 0 : i32
    %dma_start3A_90 = tpu.memref_slice %arg5[%dma_start3A_89] : memref<32768xf32, #tpu.memory_space<vmem>> -> memref<32768xf32, #tpu.memory_space<vmem>>
    tpu.enqueue_dma source(%dma_start3A_90 : memref<32768xf32, #tpu.memory_space<vmem>>) target(%dma_start3A_88 : memref<32768xf32, #tpu.memory_space<hbm>>) target_semaphore(%arg9 : memref<!tpu.dma_semaphore, #tpu.memory_space<semaphore_mem>>)
    %dma_wait3A_91 = arith.constant 0 : i32
    %dma_wait3A_92 = tpu.memref_slice %arg5[%dma_wait3A_91] : memref<32768xf32, #tpu.memory_space<vmem>> -> memref<32768xf32, #tpu.memory_space<vmem>>
    %dma_wait3A_93 = tpu.memref_slice %arg3[%add3A_84] : memref<4194304xf32, #tpu.memory_space<hbm>> -> memref<32768xf32, #tpu.memory_space<hbm>>
    %dma_wait3A_94 = tpu.memref_slice %arg3[%add3A_84] : memref<4194304xf32, #tpu.memory_space<hbm>> -> memref<32768xf32, #tpu.memory_space<hbm>>
    %dma_wait3A_95 = arith.constant 0 : i32
    %dma_wait3A_96 = tpu.memref_slice %arg5[%dma_wait3A_95] : memref<32768xf32, #tpu.memory_space<vmem>> -> memref<32768xf32, #tpu.memory_space<vmem>>
    tpu.wait_dma2 semaphore(%arg9 : memref<!tpu.dma_semaphore, #tpu.memory_space<semaphore_mem>>) src(%dma_wait3A_96 : memref<32768xf32, #tpu.memory_space<vmem>>) dst(%dma_wait3A_94 : memref<32768xf32, #tpu.memory_space<hbm>>)
    %add3A_97 = arith.constant 113408 : i32
    %add3A_98 = arith.addi %mul3A_10, %add3A_97 : i32
    %dma_start3A_99 = arith.constant 0 : i32
    %dma_start3A_100 = tpu.memref_slice %arg5[%dma_start3A_99] : memref<32768xf32, #tpu.memory_space<vmem>> -> memref<6656xf32, #tpu.memory_space<vmem>>
    %dma_start3A_101 = tpu.memref_slice %arg2[%add3A_98] : memref<4194304xf32, #tpu.memory_space<hbm>> -> memref<6656xf32, #tpu.memory_space<hbm>>
    %dma_start3A_102 = arith.constant 0 : i32
    %dma_start3A_103 = tpu.memref_slice %arg5[%dma_start3A_102] : memref<32768xf32, #tpu.memory_space<vmem>> -> memref<6656xf32, #tpu.memory_space<vmem>>
    %dma_start3A_104 = tpu.memref_slice %arg2[%add3A_98] : memref<4194304xf32, #tpu.memory_space<hbm>> -> memref<6656xf32, #tpu.memory_space<hbm>>
    tpu.enqueue_dma source(%dma_start3A_104 : memref<6656xf32, #tpu.memory_space<hbm>>) target(%dma_start3A_103 : memref<6656xf32, #tpu.memory_space<vmem>>) target_semaphore(%arg8 : memref<!tpu.dma_semaphore, #tpu.memory_space<semaphore_mem>>)
    %dma_wait3A_105 = arith.constant 0 : i32
    %dma_wait3A_106 = tpu.memref_slice %arg6[%dma_wait3A_105] : memref<32768xf32, #tpu.memory_space<vmem>> -> memref<14080xf32, #tpu.memory_space<vmem>>
    %dma_wait3A_107 = tpu.memref_slice %arg2[%add3A_43] : memref<4194304xf32, #tpu.memory_space<hbm>> -> memref<14080xf32, #tpu.memory_space<hbm>>
    %dma_wait3A_108 = arith.constant 0 : i32
    %dma_wait3A_109 = tpu.memref_slice %arg6[%dma_wait3A_108] : memref<32768xf32, #tpu.memory_space<vmem>> -> memref<14080xf32, #tpu.memory_space<vmem>>
    %dma_wait3A_110 = tpu.memref_slice %arg2[%add3A_43] : memref<4194304xf32, #tpu.memory_space<hbm>> -> memref<14080xf32, #tpu.memory_space<hbm>>
    tpu.wait_dma2 semaphore(%arg8 : memref<!tpu.dma_semaphore, #tpu.memory_space<semaphore_mem>>) src(%dma_wait3A_110 : memref<14080xf32, #tpu.memory_space<hbm>>) dst(%dma_wait3A_109 : memref<14080xf32, #tpu.memory_space<vmem>>)
    %add3A_111 = arith.constant 65536 : i32
    %add3A_112 = arith.addi %mul3A_10, %add3A_111 : i32
    %dma_start3A_113 = arith.constant 0 : i32
    %dma_start3A_114 = tpu.memref_slice %arg6[%dma_start3A_113] : memref<32768xf32, #tpu.memory_space<vmem>> -> memref<14080xf32, #tpu.memory_space<vmem>>
    %dma_start3A_115 = tpu.memref_slice %arg3[%add3A_112] : memref<4194304xf32, #tpu.memory_space<hbm>> -> memref<14080xf32, #tpu.memory_space<hbm>>
    %dma_start3A_116 = tpu.memref_slice %arg3[%add3A_112] : memref<4194304xf32, #tpu.memory_space<hbm>> -> memref<14080xf32, #tpu.memory_space<hbm>>
    %dma_start3A_117 = arith.constant 0 : i32
    %dma_start3A_118 = tpu.memref_slice %arg6[%dma_start3A_117] : memref<32768xf32, #tpu.memory_space<vmem>> -> memref<14080xf32, #tpu.memory_space<vmem>>
    tpu.enqueue_dma source(%dma_start3A_118 : memref<14080xf32, #tpu.memory_space<vmem>>) target(%dma_start3A_116 : memref<14080xf32, #tpu.memory_space<hbm>>) target_semaphore(%arg9 : memref<!tpu.dma_semaphore, #tpu.memory_space<semaphore_mem>>)
    %dma_wait3A_119 = arith.constant 0 : i32
    %dma_wait3A_120 = tpu.memref_slice %arg6[%dma_wait3A_119] : memref<32768xf32, #tpu.memory_space<vmem>> -> memref<14080xf32, #tpu.memory_space<vmem>>
    %dma_wait3A_121 = tpu.memref_slice %arg3[%add3A_112] : memref<4194304xf32, #tpu.memory_space<hbm>> -> memref<14080xf32, #tpu.memory_space<hbm>>
    %dma_wait3A_122 = tpu.memref_slice %arg3[%add3A_112] : memref<4194304xf32, #tpu.memory_space<hbm>> -> memref<14080xf32, #tpu.memory_space<hbm>>
    %dma_wait3A_123 = arith.constant 0 : i32
    %dma_wait3A_124 = tpu.memref_slice %arg6[%dma_wait3A_123] : memref<32768xf32, #tpu.memory_space<vmem>> -> memref<14080xf32, #tpu.memory_space<vmem>>
    tpu.wait_dma2 semaphore(%arg9 : memref<!tpu.dma_semaphore, #tpu.memory_space<semaphore_mem>>) src(%dma_wait3A_124 : memref<14080xf32, #tpu.memory_space<vmem>>) dst(%dma_wait3A_122 : memref<14080xf32, #tpu.memory_space<hbm>>)
    %add3A_125 = arith.constant 121728 : i32
    %add3A_126 = arith.addi %mul3A_10, %add3A_125 : i32
    %dma_start3A_127 = arith.constant 0 : i32
    %dma_start3A_128 = tpu.memref_slice %arg6[%dma_start3A_127] : memref<32768xf32, #tpu.memory_space<vmem>> -> memref<9344xf32, #tpu.memory_space<vmem>>
    %dma_start3A_129 = tpu.memref_slice %arg2[%add3A_126] : memref<4194304xf32, #tpu.memory_space<hbm>> -> memref<9344xf32, #tpu.memory_space<hbm>>
    %dma_start3A_130 = arith.constant 0 : i32
    %dma_start3A_131 = tpu.memref_slice %arg6[%dma_start3A_130] : memref<32768xf32, #tpu.memory_space<vmem>> -> memref<9344xf32, #tpu.memory_space<vmem>>
    %dma_start3A_132 = tpu.memref_slice %arg2[%add3A_126] : memref<4194304xf32, #tpu.memory_space<hbm>> -> memref<9344xf32, #tpu.memory_space<hbm>>
    tpu.enqueue_dma source(%dma_start3A_132 : memref<9344xf32, #tpu.memory_space<hbm>>) target(%dma_start3A_131 : memref<9344xf32, #tpu.memory_space<vmem>>) target_semaphore(%arg8 : memref<!tpu.dma_semaphore, #tpu.memory_space<semaphore_mem>>)
    %dma_wait3A_133 = arith.constant 0 : i32
    %dma_wait3A_134 = tpu.memref_slice %arg4[%dma_wait3A_133] : memref<32768xf32, #tpu.memory_space<vmem>> -> memref<32768xf32, #tpu.memory_space<vmem>>
    %dma_wait3A_135 = tpu.memref_slice %arg2[%add3A_70] : memref<4194304xf32, #tpu.memory_space<hbm>> -> memref<32768xf32, #tpu.memory_space<hbm>>
    %dma_wait3A_136 = arith.constant 0 : i32
    %dma_wait3A_137 = tpu.memref_slice %arg4[%dma_wait3A_136] : memref<32768xf32, #tpu.memory_space<vmem>> -> memref<32768xf32, #tpu.memory_space<vmem>>
    %dma_wait3A_138 = tpu.memref_slice %arg2[%add3A_70] : memref<4194304xf32, #tpu.memory_space<hbm>> -> memref<32768xf32, #tpu.memory_space<hbm>>
    tpu.wait_dma2 semaphore(%arg8 : memref<!tpu.dma_semaphore, #tpu.memory_space<semaphore_mem>>) src(%dma_wait3A_138 : memref<32768xf32, #tpu.memory_space<hbm>>) dst(%dma_wait3A_137 : memref<32768xf32, #tpu.memory_space<vmem>>)
    %add3A_139 = arith.constant 80640 : i32
    %add3A_140 = arith.addi %mul3A_10, %add3A_139 : i32
    %dma_start3A_141 = arith.constant 0 : i32
    %dma_start3A_142 = tpu.memref_slice %arg4[%dma_start3A_141] : memref<32768xf32, #tpu.memory_space<vmem>> -> memref<32768xf32, #tpu.memory_space<vmem>>
    %dma_start3A_143 = tpu.memref_slice %arg3[%add3A_140] : memref<4194304xf32, #tpu.memory_space<hbm>> -> memref<32768xf32, #tpu.memory_space<hbm>>
    %dma_start3A_144 = tpu.memref_slice %arg3[%add3A_140] : memref<4194304xf32, #tpu.memory_space<hbm>> -> memref<32768xf32, #tpu.memory_space<hbm>>
    %dma_start3A_145 = arith.constant 0 : i32
    %dma_start3A_146 = tpu.memref_slice %arg4[%dma_start3A_145] : memref<32768xf32, #tpu.memory_space<vmem>> -> memref<32768xf32, #tpu.memory_space<vmem>>
    tpu.enqueue_dma source(%dma_start3A_146 : memref<32768xf32, #tpu.memory_space<vmem>>) target(%dma_start3A_144 : memref<32768xf32, #tpu.memory_space<hbm>>) target_semaphore(%arg9 : memref<!tpu.dma_semaphore, #tpu.memory_space<semaphore_mem>>)
    %dma_wait3A_147 = arith.constant 0 : i32
    %dma_wait3A_148 = tpu.memref_slice %arg5[%dma_wait3A_147] : memref<32768xf32, #tpu.memory_space<vmem>> -> memref<6656xf32, #tpu.memory_space<vmem>>
    %dma_wait3A_149 = tpu.memref_slice %arg2[%add3A_98] : memref<4194304xf32, #tpu.memory_space<hbm>> -> memref<6656xf32, #tpu.memory_space<hbm>>
    %dma_wait3A_150 = arith.constant 0 : i32
    %dma_wait3A_151 = tpu.memref_slice %arg5[%dma_wait3A_150] : memref<32768xf32, #tpu.memory_space<vmem>> -> memref<6656xf32, #tpu.memory_space<vmem>>
    %dma_wait3A_152 = tpu.memref_slice %arg2[%add3A_98] : memref<4194304xf32, #tpu.memory_space<hbm>> -> memref<6656xf32, #tpu.memory_space<hbm>>
    tpu.wait_dma2 semaphore(%arg8 : memref<!tpu.dma_semaphore, #tpu.memory_space<semaphore_mem>>) src(%dma_wait3A_152 : memref<6656xf32, #tpu.memory_space<hbm>>) dst(%dma_wait3A_151 : memref<6656xf32, #tpu.memory_space<vmem>>)
    %add3A_153 = arith.constant 113408 : i32
    %add3A_154 = arith.addi %mul3A_10, %add3A_153 : i32
    %dma_start3A_155 = arith.constant 0 : i32
    %dma_start3A_156 = tpu.memref_slice %arg5[%dma_start3A_155] : memref<32768xf32, #tpu.memory_space<vmem>> -> memref<6656xf32, #tpu.memory_space<vmem>>
    %dma_start3A_157 = tpu.memref_slice %arg3[%add3A_154] : memref<4194304xf32, #tpu.memory_space<hbm>> -> memref<6656xf32, #tpu.memory_space<hbm>>
    %dma_start3A_158 = tpu.memref_slice %arg3[%add3A_154] : memref<4194304xf32, #tpu.memory_space<hbm>> -> memref<6656xf32, #tpu.memory_space<hbm>>
    %dma_start3A_159 = arith.constant 0 : i32
    %dma_start3A_160 = tpu.memref_slice %arg5[%dma_start3A_159] : memref<32768xf32, #tpu.memory_space<vmem>> -> memref<6656xf32, #tpu.memory_space<vmem>>
    tpu.enqueue_dma source(%dma_start3A_160 : memref<6656xf32, #tpu.memory_space<vmem>>) target(%dma_start3A_158 : memref<6656xf32, #tpu.memory_space<hbm>>) target_semaphore(%arg9 : memref<!tpu.dma_semaphore, #tpu.memory_space<semaphore_mem>>)
    %dma_wait3A_161 = arith.constant 0 : i32
    %dma_wait3A_162 = tpu.memref_slice %arg6[%dma_wait3A_161] : memref<32768xf32, #tpu.memory_space<vmem>> -> memref<9344xf32, #tpu.memory_space<vmem>>
    %dma_wait3A_163 = tpu.memref_slice %arg2[%add3A_126] : memref<4194304xf32, #tpu.memory_space<hbm>> -> memref<9344xf32, #tpu.memory_space<hbm>>
    %dma_wait3A_164 = arith.constant 0 : i32
    %dma_wait3A_165 = tpu.memref_slice %arg6[%dma_wait3A_164] : memref<32768xf32, #tpu.memory_space<vmem>> -> memref<9344xf32, #tpu.memory_space<vmem>>
    %dma_wait3A_166 = tpu.memref_slice %arg2[%add3A_126] : memref<4194304xf32, #tpu.memory_space<hbm>> -> memref<9344xf32, #tpu.memory_space<hbm>>
    tpu.wait_dma2 semaphore(%arg8 : memref<!tpu.dma_semaphore, #tpu.memory_space<semaphore_mem>>) src(%dma_wait3A_166 : memref<9344xf32, #tpu.memory_space<hbm>>) dst(%dma_wait3A_165 : memref<9344xf32, #tpu.memory_space<vmem>>)
    %add3A_167 = arith.constant 121728 : i32
    %add3A_168 = arith.addi %mul3A_10, %add3A_167 : i32
    %dma_start3A_169 = arith.constant 0 : i32
    %dma_start3A_170 = tpu.memref_slice %arg6[%dma_start3A_169] : memref<32768xf32, #tpu.memory_space<vmem>> -> memref<9344xf32, #tpu.memory_space<vmem>>
    %dma_start3A_171 = tpu.memref_slice %arg3[%add3A_168] : memref<4194304xf32, #tpu.memory_space<hbm>> -> memref<9344xf32, #tpu.memory_space<hbm>>
    %dma_start3A_172 = tpu.memref_slice %arg3[%add3A_168] : memref<4194304xf32, #tpu.memory_space<hbm>> -> memref<9344xf32, #tpu.memory_space<hbm>>
    %dma_start3A_173 = arith.constant 0 : i32
    %dma_start3A_174 = tpu.memref_slice %arg6[%dma_start3A_173] : memref<32768xf32, #tpu.memory_space<vmem>> -> memref<9344xf32, #tpu.memory_space<vmem>>
    tpu.enqueue_dma source(%dma_start3A_174 : memref<9344xf32, #tpu.memory_space<vmem>>) target(%dma_start3A_172 : memref<9344xf32, #tpu.memory_space<hbm>>) target_semaphore(%arg9 : memref<!tpu.dma_semaphore, #tpu.memory_space<semaphore_mem>>)
    %dma_wait3A_175 = arith.constant 0 : i32
    %dma_wait3A_176 = tpu.memref_slice %arg4[%dma_wait3A_175] : memref<32768xf32, #tpu.memory_space<vmem>> -> memref<32768xf32, #tpu.memory_space<vmem>>
    %dma_wait3A_177 = tpu.memref_slice %arg3[%add3A_140] : memref<4194304xf32, #tpu.memory_space<hbm>> -> memref<32768xf32, #tpu.memory_space<hbm>>
    %dma_wait3A_178 = tpu.memref_slice %arg3[%add3A_140] : memref<4194304xf32, #tpu.memory_space<hbm>> -> memref<32768xf32, #tpu.memory_space<hbm>>
    %dma_wait3A_179 = arith.constant 0 : i32
    %dma_wait3A_180 = tpu.memref_slice %arg4[%dma_wait3A_179] : memref<32768xf32, #tpu.memory_space<vmem>> -> memref<32768xf32, #tpu.memory_space<vmem>>
    tpu.wait_dma2 semaphore(%arg9 : memref<!tpu.dma_semaphore, #tpu.memory_space<semaphore_mem>>) src(%dma_wait3A_180 : memref<32768xf32, #tpu.memory_space<vmem>>) dst(%dma_wait3A_178 : memref<32768xf32, #tpu.memory_space<hbm>>)
    %dma_wait3A_181 = arith.constant 0 : i32
    %dma_wait3A_182 = tpu.memref_slice %arg5[%dma_wait3A_181] : memref<32768xf32, #tpu.memory_space<vmem>> -> memref<6656xf32, #tpu.memory_space<vmem>>
    %dma_wait3A_183 = tpu.memref_slice %arg3[%add3A_154] : memref<4194304xf32, #tpu.memory_space<hbm>> -> memref<6656xf32, #tpu.memory_space<hbm>>
    %dma_wait3A_184 = tpu.memref_slice %arg3[%add3A_154] : memref<4194304xf32, #tpu.memory_space<hbm>> -> memref<6656xf32, #tpu.memory_space<hbm>>
    %dma_wait3A_185 = arith.constant 0 : i32
    %dma_wait3A_186 = tpu.memref_slice %arg5[%dma_wait3A_185] : memref<32768xf32, #tpu.memory_space<vmem>> -> memref<6656xf32, #tpu.memory_space<vmem>>
    tpu.wait_dma2 semaphore(%arg9 : memref<!tpu.dma_semaphore, #tpu.memory_space<semaphore_mem>>) src(%dma_wait3A_186 : memref<6656xf32, #tpu.memory_space<vmem>>) dst(%dma_wait3A_184 : memref<6656xf32, #tpu.memory_space<hbm>>)
    %dma_wait3A_187 = arith.constant 0 : i32
    %dma_wait3A_188 = tpu.memref_slice %arg6[%dma_wait3A_187] : memref<32768xf32, #tpu.memory_space<vmem>> -> memref<9344xf32, #tpu.memory_space<vmem>>
    %dma_wait3A_189 = tpu.memref_slice %arg3[%add3A_168] : memref<4194304xf32, #tpu.memory_space<hbm>> -> memref<9344xf32, #tpu.memory_space<hbm>>
    %dma_wait3A_190 = tpu.memref_slice %arg3[%add3A_168] : memref<4194304xf32, #tpu.memory_space<hbm>> -> memref<9344xf32, #tpu.memory_space<hbm>>
    %dma_wait3A_191 = arith.constant 0 : i32
    %dma_wait3A_192 = tpu.memref_slice %arg6[%dma_wait3A_191] : memref<32768xf32, #tpu.memory_space<vmem>> -> memref<9344xf32, #tpu.memory_space<vmem>>
    tpu.wait_dma2 semaphore(%arg9 : memref<!tpu.dma_semaphore, #tpu.memory_space<semaphore_mem>>) src(%dma_wait3A_192 : memref<9344xf32, #tpu.memory_space<vmem>>) dst(%dma_wait3A_190 : memref<9344xf32, #tpu.memory_space<hbm>>)
    %dma_wait3A_193 = arith.constant 0 : i32
    %dma_wait3A_194 = tpu.memref_slice %arg7[%dma_wait3A_193] : memref<1664xf32, #tpu.memory_space<vmem>> -> memref<1024xf32, #tpu.memory_space<vmem>>
    %dma_wait3A_195 = tpu.memref_slice %arg3[%add3A_12] : memref<4194304xf32, #tpu.memory_space<hbm>> -> memref<1024xf32, #tpu.memory_space<hbm>>
    %dma_wait3A_196 = tpu.memref_slice %arg3[%add3A_12] : memref<4194304xf32, #tpu.memory_space<hbm>> -> memref<1024xf32, #tpu.memory_space<hbm>>
    %dma_wait3A_197 = arith.constant 0 : i32
    %dma_wait3A_198 = tpu.memref_slice %arg7[%dma_wait3A_197] : memref<1664xf32, #tpu.memory_space<vmem>> -> memref<1024xf32, #tpu.memory_space<vmem>>
    tpu.wait_dma2 semaphore(%arg10 : memref<!tpu.dma_semaphore, #tpu.memory_space<semaphore_mem>>) src(%dma_wait3A_198 : memref<1024xf32, #tpu.memory_space<vmem>>) dst(%dma_wait3A_196 : memref<1024xf32, #tpu.memory_space<hbm>>)
    %dma_wait3A_199 = arith.constant 0 : i32
    %dma_wait3A_200 = tpu.memref_slice %arg7[%dma_wait3A_199] : memref<1664xf32, #tpu.memory_space<vmem>> -> memref<1664xf32, #tpu.memory_space<vmem>>
    %dma_wait3A_201 = tpu.memref_slice %arg3[%add3A_19] : memref<4194304xf32, #tpu.memory_space<hbm>> -> memref<1664xf32, #tpu.memory_space<hbm>>
    %dma_wait3A_202 = tpu.memref_slice %arg3[%add3A_19] : memref<4194304xf32, #tpu.memory_space<hbm>> -> memref<1664xf32, #tpu.memory_space<hbm>>
    %dma_wait3A_203 = arith.constant 0 : i32
    %dma_wait3A_204 = tpu.memref_slice %arg7[%dma_wait3A_203] : memref<1664xf32, #tpu.memory_space<vmem>> -> memref<1664xf32, #tpu.memory_space<vmem>>
    tpu.wait_dma2 semaphore(%arg10 : memref<!tpu.dma_semaphore, #tpu.memory_space<semaphore_mem>>) src(%dma_wait3A_204 : memref<1664xf32, #tpu.memory_space<vmem>>) dst(%dma_wait3A_202 : memref<1664xf32, #tpu.memory_space<hbm>>)
    return
  }
}

</mosaic_0001>

<sc_bundles>
// kernel: kernel.3.cloned.1.call-start
scs
__scs_entry_jumppad:
0x0: {  	(pc) =	sbr.rel $0x88, $3  }
0x1: {  	(tag) =	ssettag $0x0;
	lr =	simm.s32 $0x1  }
0x2: {  	[smem:$0x3FA0] =	sst lr;
	_ =	strace $0xD0000000  }
0x3: {  	_ = 	snop  }
0x4: {  	_ = 	snop  }
0x5: {  	_ = 	snop  }
0x6: {  	_ = 	snop  }
0x7: {  	_ = 	snop  }
__scs_overlays_trampoline_lowered:
0x8: {  	[smem:$0x3FAF] =	sst s0  }
0x9: {  	[smem:$0x3FB0] =	sst s1  }
0xa: {  	[smem:$0x3FB1] =	sst s2  }
0xb: {  	[smem:$0x3FB2] =	sst s3  }
0xc: {  	[smem:$0x3FB3] =	sst s4  }
0xd: {  	[smem:$0x3FB4] =	sst s5  }
0xe: {  	[smem:$0x3FB5] =	sst s6  }
0xf: {  	[smem:$0x3FB6] =	sst s7  }
0x10: {  	[smem:$0x3FB7] =	sst s8  }
0x11: {  	[smem:$0x3FB8] =	sst s9;
	s0 =	simm.s32 @!p0 $0x0  }
0x12: {  	s1 =	sld [smem:$0x3F9E];
	s0 =	simm.s32 @p0 $0x1  }
0x13: {  	[smem:$0x3FB9] =	sst s0;
	s0 =	simm.s32 @!p1 $0x0  }
0x14: {  	s2 =	sld [smem:$0x3F9D];
	s0 =	simm.s32 @p1 $0x1  }
0x15: {  	[smem:$0x3FBA] =	sst s0;
	s0 =	simm.s32 @!p2 $0x0  }
0x16: {  	s3 =	sld [smem:$0x3FDB];
	s0 =	simm.s32 @p2 $0x1  }
0x17: {  	s4 =	simm.s32 $0x1BF5;
	[smem:$0x3FBC] =	sst s0  }
0x18: {  	s0 =	sld [smem:$0x3F9F];
	_ =	swait.ge [sflag:s4], $0x0  }
0x19: {  	s7 =	sld [smem:$0x3FA0]  }
0x1a: {  	s8 =	sadd.s32 $0xFFFFE003, lr  }
0x1b: {  	s9 =	sadd.s32 $0xFFFFFEF7, lr;
	s5 =	simm.s32 $0xFFFFFFFF;
	p2 =	slt.u32 s8, $0xFFFFF086  }
0x1c: {  	p1 =	slt.u32 s9, $0xF7A;
	s5 =	simm.s32 @!p2 $0x0  }
0x1d: {  	s5 =	simm.s32 @p1 $0x1;
	p0 =	seq.s32 s7, s2  }
0x1e: {  	s7 =	smul.u32 @!p0 $0xF7A, s2;
	p2 =	seq.s32 @!p0 s5, $0x0  }
0x1f: {  	s9 =	smul.u32 $0xF7A, s1;
	s8 =	simm.s32 @!p0 $0x1BF5;
	p2 =	por !p2, p0  }
0x20: {  	[sflag:s8] =	ssyncset.s32 @!p0 $0xFFFFF086;
	s6 =	sadd.s32 @!p0 s3, s7;
	s7 =	simm.s32 @!p0 $0x108  }
0x21: {  	s3 =	sadd.s32 s3, s9;
	s6 =	sadd.s32 @!p0 $0x88, s6;
	s7 =	simm.s32 @p2 $0x1082  }
0x22: {  	[simem:s7], [sflag:s8] =	dma.local @!p0 [hbm:s6], $0xF7A  }
0x23: {  	s9 =	sor.u32 $0xD0000000, s2;
	s6 =	simm.s32 $0x108;
	_ =	swait.ge @!p0 [sflag:s8], $0x0  }
0x24: {  	s3 =	sadd.s32 $0x88, s3;
	s6 =	simm.s32 @!p1 $0x1082;
	[sflag:s4] =	ssyncset.s32 $0xFFFFF086  }
0x25: {  	[simem:s6], [sflag:s4] =	dma.local [hbm:s3], $0xF7A  }
0x26: {  	[smem:$0x3FA0] =	sst s1;
	(tag) =	ssettag s2;
	_ =	strace s9  }
0x27: {  	s1 =	sld [smem:$0x3FB0]  }
0x28: {  	s2 =	sld [smem:$0x3FB1]  }
0x29: {  	s4 =	sld [smem:$0x3FB3]  }
0x2a: {  	p0 =	seq.s32 s5, $0x0;
	s5 =	sld [smem:$0x3FB4]  }
0x2b: {  	s6 =	sld [smem:$0x3FB5]  }
0x2c: {  	s7 =	sld [smem:$0x3FB6]  }
0x2d: {  	s3 =	simm.s32 $0x108;
	s8 =	sld [smem:$0x3FB7]  }
0x2e: {  	s3 =	simm.s32 @!p0 $0x1082;
	s9 =	sld [smem:$0x3FB8]  }
0x2f: {  	lr =	sadd.s32 s0, s3;
	s0 =	sld [smem:$0x3FAF]  }
0x30: {  	s3 =	sld [smem:$0x3FB2]  }
0x31: {  	[smem:$0x3FBB] =	sst s10  }
0x32: {  	s10 =	sld [smem:$0x3FB9];
	_ =	sdelay $0x3  }
0x33: {  	p0 =	seq.s32 s10, $0x1;
	s10 =	sld [smem:$0x3FBB];
	_ =	sdelay $0x3  }
0x34: {  	[smem:$0x3FBB] =	sst s10  }
0x35: {  	s10 =	sld [smem:$0x3FBA];
	_ =	sdelay $0x3  }
0x36: {  	p1 =	seq.s32 s10, $0x1;
	s10 =	sld [smem:$0x3FBB];
	_ =	sdelay $0x3  }
0x37: {  	[smem:$0x3FBB] =	sst s10  }
0x38: {  	s10 =	sld [smem:$0x3FBC]  }
0x39: {  	_ = 	snop;
	(pc) =	sbr.ind lr, $3  }
0x3a: {  	_ = 	snop  }
0x3b: {  	_ = 	snop  }
0x3c: {  	p2 =	seq.s32 s10, $0x1;
	s10 =	sld [smem:$0x3FBB]  }
0x3d: {  	_ =	shalt  }
0x3e: {  	_ =	shalt  }
0x3f: {  	_ =	shalt  }
0x40: {  	_ =	shalt  }
0x41: {  	_ =	shalt  }
0x42: {  	_ =	shalt  }
0x43: {  	_ =	shalt  }
0x44: {  	_ =	shalt  }
0x45: {  	_ =	shalt  }
0x46: {  	_ =	shalt  }
0x47: {  	_ =	shalt  }
0x48: {  	_ =	shalt  }
0x49: {  	_ =	shalt  }
0x4a: {  	_ =	shalt  }
0x4b: {  	_ =	shalt  }
0x4c: {  	_ =	shalt  }
0x4d: {  	_ =	shalt  }
0x4e: {  	_ =	shalt  }
0x4f: {  	_ =	shalt  }
0x50: {  	_ =	shalt  }
0x51: {  	_ =	shalt  }
0x52: {  	_ =	shalt  }
0x53: {  	_ =	shalt  }
0x54: {  	_ =	shalt  }
0x55: {  	_ =	shalt  }
0x56: {  	_ =	shalt  }
0x57: {  	_ =	shalt  }
0x58: {  	_ =	shalt  }
0x59: {  	_ =	shalt  }
0x5a: {  	_ =	shalt  }
0x5b: {  	_ =	shalt  }
0x5c: {  	_ =	shalt  }
0x5d: {  	_ =	shalt  }
0x5e: {  	_ =	shalt  }
0x5f: {  	_ =	shalt  }
0x60: {  	_ =	shalt  }
0x61: {  	_ =	shalt  }
0x62: {  	_ =	shalt  }
0x63: {  	_ =	shalt  }
0x64: {  	_ =	shalt  }
0x65: {  	_ =	shalt  }
0x66: {  	_ =	shalt  }
0x67: {  	_ =	shalt  }
0x68: {  	_ =	shalt  }
0x69: {  	_ =	shalt  }
0x6a: {  	_ =	shalt  }
0x6b: {  	_ =	shalt  }
0x6c: {  	_ =	shalt  }
0x6d: {  	_ =	shalt  }
0x6e: {  	_ =	shalt  }
0x6f: {  	_ =	shalt  }
0x70: {  	_ =	shalt  }
0x71: {  	_ =	shalt  }
0x72: {  	_ =	shalt  }
0x73: {  	_ =	shalt  }
0x74: {  	_ =	shalt  }
0x75: {  	_ =	shalt  }
0x76: {  	_ =	shalt  }
0x77: {  	_ =	shalt  }
0x78: {  	_ =	shalt  }
0x79: {  	_ =	shalt  }
0x7a: {  	_ =	shalt  }
0x7b: {  	_ =	shalt  }
0x7c: {  	_ =	shalt  }
0x7d: {  	_ =	shalt  }
0x7e: {  	_ =	shalt  }
0x7f: {  	_ =	shalt  }
0x80: {  	_ =	shalt  }
0x81: {  	_ =	shalt  }
0x82: {  	_ =	shalt  }
0x83: {  	_ =	shalt  }
0x84: {  	_ =	shalt  }
0x85: {  	_ =	shalt  }
0x86: {  	_ =	shalt  }
0x87: {  	_ =	shalt  }
.Lfunc_end0:
.L_simem_size_0:
called_computation_lowered:
.L_overlay_start_0:
0x88: {  	s2 =	sld [smem:$0x3FD9]  }
0x89: {  	s3 =	sld [smem:$0x3FFE];
	_ =	sdelay $0x1  }
0x8a: {  	s1 =	srdreg.scid  }
0x8b: {  	s0 =	sand.u32 $0x1, s1  }
0x8c: {  	s18 =	sshll.u32 s0, $0xA;
	s2 =	sadd.s32 s3, s2  }
0x8d: {  	s2 =	sadd.s32 s2, s18  }
0x8e: {  	[smem:$0x3FC7] =	sst s2  }
0x8f: {  	_ = 	snop  }
0x90: {  	s2 =	sld [smem:$0x3FC9]  }
0x91: {  	s19 =	sld [smem:$0x3FD0];
	(tm) =	ssettm $0x1  }
0x92: {  	s4 =	sld [smem:$0x3FFB];
	_ =	sdelay $0x3  }
0x93: {  	_ =	strace s4  }
0x94: {  	s4 =	sld [smem:$0x3FFC];
	_ =	sdelay $0x3  }
0x95: {  	_ =	strace s4  }
0x96: {  	s4 =	sld [smem:$0x3FFD];
	_ =	sdelay $0x3  }
0x97: {  	_ =	strace s4  }
0x98: {  	_ =	strace $0x8FFFFFFF  }
0x99: {  	s20 =	sld [smem:$0x3FDB];
	_ =	sdelay $0x1  }
0x9a: {  	s5 =	simm.s32 $_scs_section_size  }
0x9b: {  	s6 =	simm.s32 $_size__tile_overlayer_lowered;
	s7 =	simm.s32 $_tile_overlayer_lowered  }
0x9c: {  	s23 =	simm.s32 $0x1BFF;
	s22 =	sshll.u32 s7, $0x1;
	s4 =	sadd.s32 s5, s20  }
0x9d: {  	s8 =	simm.s32 $0x0;
	s21 =	sshll.u32 s6, $0x1;
	s6 =	sadd.s32 s22, s4  }
0x9e: {  	[timem:s8], [sflag:s23] =	dma.local [hbm:s6], s21  }
0x9f: {  	_ =	swait.ge [sflag:s23], s21  }
0xa0: {  	s5 =	ssub.s32 $0x0, s21;
	[sflag:s23] =	ssyncset.done $0x0  }
0xa1: {  	[sflag:s23] =	ssyncadd.s32 s5;
	_ =	sdelay $0x1  }
0xa2: {  	s24 =	simm.s32 $0x1B8B  }
0xa3: {  	_ =	swait.ge [sflag:s24], $0x1  }
0xa4: {  	[sflag:s24] =	ssyncset.done $0x0  }
0xa5: {  	s25 =	simm.s32 $0x1B8E;
	[sflag:s24] =	ssyncadd.s32 $0xFFFFFFFF  }
0xa6: {  	s26 =	simm.s32 $execute0_lowered;
	[smem:$0x3FD2] =	sst s25  }
0xa7: {  	s5 =	sshll.u32 s26, $0x1;
	_ =	strace $0x80000046;
	[dreg:$0x1] =	wrdreg $0xFFFFFFFF  }
0xa8: {  	s28 =	simm.s32 $_size_execute0_lowered;
	s4 =	sadd.s32 s4, s5;
	[dreg:$0x0] =	wrdreg $0x0  }
0xa9: {  	s5 =	sshll.u32 s28, $0x1;
	[dreg:$0x2] =	wrdreg s4  }
0xaa: {  	[dreg:$0x3] =	wrdreg s5  }
0xab: {  	[dreg:$0x4] =	wrdreg $0xC0  }
0xac: {  	_ =	task [dreg:s8], $0x5FFFF  }
0xad: {  	[dreg:$0x1] =	wrdreg $0xFFFFFFFF  }
0xae: {  	[dreg:$0x0] =	wrdreg $0x60  }
0xaf: {  	[dreg:$0x2] =	wrdreg s2  }
0xb0: {  	[dreg:$0x3] =	wrdreg s19  }
0xb1: {  	[dreg:$0x4] =	wrdreg $0x9  }
0xb2: {  	_ =	task.clear_ibuf [dreg:s8], $0x5FFFF;
	_ =	strace $0x90000046  }
0xb3: {  	s29 =	simm.s32 $0x9;
	_ =	strace $0x80000048  }
0xb4: {  	_ =	swait.ge [sflag:s29], $0x1  }
0xb5: {  	[sflag:s29] =	ssyncadd.s32 $0xFFFFFFFF  }
0xb6: {  	_ =	strace $0x90000048  }
0xb7: {  	_ =	sfence  }
0xb8: {  	s30 =	sld [smem:$0x0];
	_ =	sdelay $0x2  }
0xb9: {  	s31 =	sshll.u32 s1, $0xD;
	s1 =	sshrl.u32 s1, $0x2  }
0xba: {  	s3 =	sand.u32 $0x4000, s31;
	s1 =	sadd.s32 s1, s30  }
0xbb: {  	s0 =	sor.u32 s3, s0;
	s1 =	sshll.u32 s1, $0x11  }
0xbc: {  	s0 =	sor.u32 s1, s0  }
0xbd: {  	s0 =	sadd.s32 $0x8F2B, s0  }
0xbe: {  	[sflag:s0] =	ssyncadd.remote.s32 $0x1  }
0xbf: {  	_ =	sfence.sel $0xFFFF  }
0xc0: {  	[dreg:$0x0] =	wrdreg $0xFFFFFFFF;
	(pc) =	sbr.abs _section_cstart, $3  }
0xc1: {  	[dreg:$0x1] =	wrdreg $0xFFFFFFFF  }
0xc2: {  	_ =	task.clear_ibuf [dreg:s8], $0x2FFFF;
	_ =	strace $0x9FFFFFFF  }
0xc3: {  	(tm) =	ssettm $0x7FFFFFFF  }
tec
execute0_lowered:
.L_overlay_start_1:
0x0: {  	(tag) =	ssettag $0x1  }
0x1: {  	s13 =	rddreg [dreg:$0x0]  }
0x2: {  	s16 =	rddreg [dreg:$0x1];
	s2 =	srdreg.scid  }
0x3: {  	s0 =	rddreg [dreg:$0x2];
	s1 =	stileid.u32;
	s20 =	simm.s32 $0x10000  }
0x4: {  	s21 =	simm.s32 $0x1;
	s22 =	simm.s32 $0x2;
	s23 =	simm.s32 $0x3  }
0x5: {  	s24 =	simm.s32 $0x0;
	s3 =	sand.u32 $0x1, s2;
	s2 =	simm.s32 $0x0  }
0x6: {  	s4 =	sshll.u32 s1, $0xF;
	s5 =	sshll.u32 s3, $0xE;
	s6 =	ssub.s32 $0x2, s3  }
0x7: {  	[smem:$0x7FF] =	sst s2;
	s14 =	sor.u32 s5, s4;
	s31 =	sshrl.u32 s6, $0x1  }
0x8: {  	_ =	strace $0x80000047;
	s3 =	sadd.s32 s16, s14;
	s17 =	ssub.s32 s6, s31  }
0x9: {  	s6 =	sadd.s32 s13, s14;
	s10 =	sor.u32 $0x1000, s14;
	s12 =	sor.u32 $0x2000, s14  }
0xa: {  	s15 =	sor.u32 $0x2760, s14;
	s18 =	sor.u32 $0x3760, s14;
	s19 =	sor.u32 $0x3B70, s14  }
0xb: {  	s4 =	sadd.s32 $0x26E0, s3;
	s5 =	sadd.s32 $0x3AA0, s3;
	s7 =	sadd.s32 s13, s10  }
0xc: {  	s8 =	sadd.s32 s13, s12;
	s9 =	sadd.s32 s13, s15;
	s10 =	sadd.s32 s16, s10  }
0xd: {  	s11 =	sadd.s32 s13, s18;
	s12 =	sadd.s32 s16, s12;
	s13 =	sadd.s32 s13, s19  }
0xe: {  	s14 =	sadd.s32 s16, s15;
	s15 =	sadd.s32 s16, s18;
	s16 =	sadd.s32 s16, s19  }
0xf: {  	v0 =	vimm.f32 $0.0e+00;
	s17 =	smax.u32 s17, $0x1;
	s18 =	simm.s32 $0x18000;
	s19 =	simm.s32 $0x8000  }
.LBB2_1:
0x10: {  	s25 =	simm.s32 $0x40;
	s26 =	simm.s32 $0x0  }
.LBB2_2:
0x11: {  	p0 =	sne.s32 s25, $0x19C0;
	[tilespmem:s26+$0x18000] =	vst v0;
	s26 =	smov.u32 s25;
	s25 =	sadd.s32 $0x40, s25  }
.Ltmp0:
0x12: {  	(pc) =	sbr.rel @p0 .LBB2_2-.Ltmp0, $2  }
0x13: {  	_ =	sdelay $0x2  }
0x14: {  	s26 =	sshra.s32 s26, $0x2  }
0x15: {  	[tilespmem:s26+$0x18000] =	vst v0  }
0x16: {  	[hbm4b:s4+s2] =	stream.linear.scatter [tilespmem:s18], [sflag:$0x3], $0x400, $0x38;
	[tilespmem:$0x18680] =	vst v63  }
0x17: {  	_ = 	snop  }
0x18: {  	[hbm4b:s5+s2] =	stream.linear.scatter [tilespmem:s18], [sflag:$0x3], $0x680, $0x38;
	[tilespmem:$0x18680] =	vst v63  }
0x19: {  	_ = 	snop  }
0x1a: {  	[tilespmem:s2], [sflag:$0x1] =	stream.linear.gather [hbm4b:s6+s2], $0x8000, $0x38;
	[tilespmem:$0x18680] =	vst v63  }
0x1b: {  	_ = 	snop  }
0x1c: {  	[tilespmem:s19], [sflag:$0x1] =	stream.linear.gather [hbm4b:s7+s2], $0x8000, $0x38;
	[tilespmem:$0x18680] =	vst v63  }
0x1d: {  	_ = 	snop  }
0x1e: {  	[tilespmem:s20], [sflag:$0x1] =	stream.linear.gather [hbm4b:s8+s2], $0x3700, $0x38;
	[tilespmem:$0x18680] =	vst v63  }
0x1f: {  	_ =	swait.ge [sflag:s21], $0x8000  }
0x20: {  	[sflag:s21] =	ssyncset.done $0x0  }
0x21: {  	[sflag:s21] =	ssyncadd.s32 $0xFFFF8000  }
0x22: {  	[hbm4b:s3+s2] =	stream.linear.scatter [tilespmem:s2], [sflag:$0x2], $0x8000, $0x38;
	[tilespmem:$0x18680] =	vst v63  }
0x23: {  	_ =	swait.ge [sflag:s22], $0x8000  }
0x24: {  	[sflag:s22] =	ssyncset.done $0x0  }
0x25: {  	[sflag:s22] =	ssyncadd.s32 $0xFFFF8000  }
0x26: {  	[tilespmem:s2], [sflag:$0x1] =	stream.linear.gather [hbm4b:s9+s2], $0x8000, $0x38;
	[tilespmem:$0x18680] =	vst v63  }
0x27: {  	_ =	swait.ge [sflag:s21], $0x8000  }
0x28: {  	[sflag:s21] =	ssyncset.done $0x0  }
0x29: {  	[sflag:s21] =	ssyncadd.s32 $0xFFFF8000  }
0x2a: {  	[hbm4b:s10+s2] =	stream.linear.scatter [tilespmem:s19], [sflag:$0x2], $0x8000, $0x38;
	[tilespmem:$0x18680] =	vst v63  }
0x2b: {  	_ =	swait.ge [sflag:s22], $0x8000  }
0x2c: {  	[sflag:s22] =	ssyncset.done $0x0  }
0x2d: {  	[sflag:s22] =	ssyncadd.s32 $0xFFFF8000  }
0x2e: {  	[tilespmem:s19], [sflag:$0x1] =	stream.linear.gather [hbm4b:s11+s2], $0x1A00, $0x38;
	[tilespmem:$0x18680] =	vst v63  }
0x2f: {  	_ =	swait.ge [sflag:s21], $0x3700  }
0x30: {  	[sflag:s21] =	ssyncset.done $0x0  }
0x31: {  	[sflag:s21] =	ssyncadd.s32 $0xFFFFC900  }
0x32: {  	[hbm4b:s12+s2] =	stream.linear.scatter [tilespmem:s20], [sflag:$0x2], $0x3700, $0x38;
	[tilespmem:$0x18680] =	vst v63  }
0x33: {  	_ =	swait.ge [sflag:s22], $0x3700  }
0x34: {  	[sflag:s22] =	ssyncset.done $0x0  }
0x35: {  	[sflag:s22] =	ssyncadd.s32 $0xFFFFC900  }
0x36: {  	[tilespmem:s20], [sflag:$0x1] =	stream.linear.gather [hbm4b:s13+s2], $0x2480, $0x38;
	[tilespmem:$0x18680] =	vst v63  }
0x37: {  	_ =	swait.ge [sflag:s21], $0x8000  }
0x38: {  	[sflag:s21] =	ssyncset.done $0x0  }
0x39: {  	[sflag:s21] =	ssyncadd.s32 $0xFFFF8000  }
0x3a: {  	[hbm4b:s14+s2] =	stream.linear.scatter [tilespmem:s2], [sflag:$0x2], $0x8000, $0x38;
	[tilespmem:$0x18680] =	vst v63  }
0x3b: {  	_ =	swait.ge [sflag:s21], $0x1A00  }
0x3c: {  	[sflag:s21] =	ssyncset.done $0x0  }
0x3d: {  	[sflag:s21] =	ssyncadd.s32 $0xFFFFE600  }
0x3e: {  	[hbm4b:s15+s2] =	stream.linear.scatter [tilespmem:s19], [sflag:$0x2], $0x1A00, $0x38;
	[tilespmem:$0x18680] =	vst v63  }
0x3f: {  	_ =	swait.ge [sflag:s21], $0x2480  }
0x40: {  	[sflag:s21] =	ssyncset.done $0x0  }
0x41: {  	[sflag:s21] =	ssyncadd.s32 $0xFFFFDB80  }
0x42: {  	[hbm4b:s16+s2] =	stream.linear.scatter [tilespmem:s20], [sflag:$0x2], $0x2480, $0x38;
	[tilespmem:$0x18680] =	vst v63  }
0x43: {  	_ =	swait.ge [sflag:s22], $0x8000  }
0x44: {  	[sflag:s22] =	ssyncset.done $0x0  }
0x45: {  	[sflag:s22] =	ssyncadd.s32 $0xFFFF8000  }
0x46: {  	_ =	swait.ge [sflag:s22], $0x1A00  }
0x47: {  	[sflag:s22] =	ssyncset.done $0x0  }
0x48: {  	[sflag:s22] =	ssyncadd.s32 $0xFFFFE600  }
0x49: {  	_ =	swait.ge [sflag:s22], $0x2480  }
0x4a: {  	[sflag:s22] =	ssyncset.done $0x0  }
0x4b: {  	s24 =	sadd.s32 $0x1, s24;
	[sflag:s22] =	ssyncadd.s32 $0xFFFFDB80  }
0x4c: {  	p0 =	sne.s32 s24, s17;
	_ =	swait.ge [sflag:s23], $0x400  }
.Ltmp1:
0x4d: {  	[sflag:s23] =	ssyncset.done $0x0;
	(pc) =	sbr.rel @p0 .LBB2_1-.Ltmp1, $4  }
0x4e: {  	[sflag:s23] =	ssyncadd.s32 $0xFFFFFC00  }
0x4f: {  	_ =	swait.ge [sflag:s23], $0x680  }
0x50: {  	[sflag:s23] =	ssyncset.done $0x0  }
0x51: {  	[sflag:s23] =	ssyncadd.s32 $0xFFFFF980  }
0x52: {  	_ =	sfence.sel $0x180000  }
0x53: {  	[bflag:$0x0] =	sbarrier.arrive $0xFFFF  }
0x54: {  	p0 =	sne.s32 s1, $0x0;
	_ =	strace $0x90000047  }
0x55: {  	s0 =	sadd.s32 @!p0 $0x100000, s0;
	[bflag:$0x2] =	sbarrier.arrive $0xFFFF  }
0x56: {  	[sflag:s0] =	ssyncadd.tile.s32 @!p0 $0x1;
	_ =	shalt  }
.Lfunc_end2:
_tile_overlayer_lowered:
.L_overlay_start_2:
0x57: {  	(tag) =	ssettag $0x2  }
0x58: {  	s0 =	rddreg [dreg:$0x0];
	s2 =	stileid.u32  }
0x59: {  	s1 =	rddreg [dreg:$0x1];
	p0 =	sne.s32 s2, $0x0  }
0x5a: {  	s3 =	rddreg [dreg:$0x2];
	[bflag:$0x3] =	sbarrier.arrive $0xFFFF;
	s2 =	simm.s32 @!p0 $0x1C04  }
0x5b: {  	[timem:s3], [sflag:s2] =	dma.local @!p0 [hbm:s0], s1  }
0x5c: {  	s0 =	simm.s32 @!p0 $0x4  }
0x5d: {  	_ =	swait.ge @!p0 [sflag:s0], s1  }
0x5e: {  	s1 =	ssub.s32 @!p0 $0x0, s1;
	[sflag:s0] =	ssyncset.done @!p0 $0x0  }
0x5f: {  	[sflag:s0] =	ssyncadd.s32 @!p0 s1  }
0x60: {  	[bflag:$0x3] =	sbarrier.arrive $0xFFFF  }
0x61: {  	_ =	shalt  }

</sc_bundles>
